<compile_context>
chip_gen: v7x
topology: tpu7x:2x2x1
jax: 0.10.2.dev20260603
libtpu: 0.0.44.dev20260713+nightly
codegen_flags: <defaults>
</compile_context>

<pallas_src>
import functools

import jax
import jax.numpy as jnp
from jax import lax
from jax.experimental import pallas as pl
from jax.experimental.pallas import tpu as pltpu
from jax.experimental.pallas import tpu_sc as plsc

VOCAB = 25
MAX_POS = 256
HIDDEN = 128
EPS = 1e-12

ROWS = 4096
COLS = 200
TOKENS = ROWS * COLS


def _prep_body(src_ref, aa_ref, pos_ref, g_ref, b_ref, f_ref, fidx_ref):
    aa = aa_ref[...]
    pos = pos_ref[...]
    e = aa[:, None, :] + pos[None, :, :]
    mean = jnp.mean(e, axis=-1, keepdims=True)
    c = e - mean
    var = jnp.mean(c * c, axis=-1, keepdims=True)
    y = c * lax.rsqrt(var + EPS)
    y = y * g_ref[...][None, None, :] + b_ref[...][None, None, :]
    f_ref[...] = y

    s = src_ref[...]
    m = (s != 0).astype(jnp.int32)
    mb = m.astype(jnp.bfloat16)
    tri = (
        lax.broadcasted_iota(jnp.int32, (COLS, COLS), 0)
        <= lax.broadcasted_iota(jnp.int32, (COLS, COLS), 1)
    ).astype(jnp.bfloat16)
    cs = lax.dot_general(
        mb, tri, (((1,), (0,)), ((), ())),
        preferred_element_type=jnp.float32,
    )
    pid = cs.astype(jnp.int32) * m
    fidx_ref[...] = s * MAX_POS + pid


def _prep(src, aa, pos, gamma, beta):
    return pl.pallas_call(
        _prep_body,
        out_shape=(
            jax.ShapeDtypeStruct((VOCAB, MAX_POS, HIDDEN), jnp.float32),
            jax.ShapeDtypeStruct((ROWS, COLS), jnp.int32),
        ),
    )(src, aa, pos, gamma, beta)


try:
    _INFO = plsc.get_sparse_core_info()
    _NC, _NS = _INFO.num_cores, _INFO.num_subcores
except ValueError:
    _NC, _NS = 2, 16
_NW = _NC * _NS
_CHUNK = 128
_PER_W = TOKENS // _NW
_G = _PER_W // _CHUNK


def _sc_gather(fidx3, table2):
    mesh = plsc.VectorSubcoreMesh(core_axis_name="c", subcore_axis_name="s")

    @functools.partial(
        pl.kernel,
        mesh=mesh,
        out_type=jax.ShapeDtypeStruct((TOKENS, HIDDEN), jnp.float32),
        scratch_types=[
            pltpu.VMEM((_G, _CHUNK), jnp.int32),
            pltpu.VMEM((_CHUNK, HIDDEN), jnp.float32),
            pltpu.VMEM((_CHUNK, HIDDEN), jnp.float32),
            pltpu.VMEM_SHARED((VOCAB * MAX_POS, HIDDEN), jnp.float32),
            pltpu.SemaphoreType.DMA,
            pltpu.SemaphoreType.DMA,
            pltpu.SemaphoreType.DMA,
            pltpu.SemaphoreType.DMA,
        ],
    )
    def k(fidx_hbm, f_hbm, out_hbm, idx_v, buf0, buf1, f_sh, sg0, sg1, ss0, ss1):
        sid = lax.axis_index("s")
        wid = sid * _NC + lax.axis_index("c")
        base = wid * _PER_W

        @pl.when(sid == 0)
        def _():
            pltpu.async_copy(f_hbm, f_sh, sg0)

        pltpu.sync_copy(fidx_hbm.at[wid], idx_v)

        @pl.when(sid == 0)
        def _():
            pltpu.make_async_copy(f_hbm, f_sh, sg0).wait()

        plsc.subcore_barrier()

        bufs = (buf0, buf1)
        sgs = (sg0, sg1)
        sss = (ss0, ss1)

        def start_gather(h, b):
            pltpu.async_copy(f_sh.at[idx_v.at[h]], bufs[b], sgs[b])

        def wait_gather(b):
            pltpu.make_async_copy(f_sh.at[idx_v.at[0]], bufs[b], sgs[b]).wait()

        def start_store(h, b):
            pltpu.async_copy(bufs[b], out_hbm.at[pl.ds(base + h * _CHUNK, _CHUNK)], sss[b])

        def wait_store(b):
            pltpu.make_async_copy(
                bufs[b], out_hbm.at[pl.ds(base, _CHUNK)], sss[b]
            ).wait()

        start_gather(0, 0)

        def substep(h, b):
            ob = 1 - b

            @pl.when(h >= 1)
            def _():
                wait_store(ob)

            @pl.when(h + 1 < _G)
            def _():
                start_gather(h + 1, ob)

            wait_gather(b)
            start_store(h, b)

        def body(q, carry):
            substep(2 * q, 0)
            substep(2 * q + 1, 1)
            return carry

        lax.fori_loop(0, _G // 2, body, 0)
        wait_store(1)

    return k(fidx3, table2)


def kernel(src, aa_table, pos_table, gamma, beta):
    table, fidx = _prep(src, aa_table, pos_table, gamma, beta)
    table2 = table.reshape(VOCAB * MAX_POS, HIDDEN)
    fidx3 = fidx.reshape(_NW, _G, _CHUNK)
    out = _sc_gather(fidx3, table2)
    return out.reshape(ROWS, COLS, HIDDEN)

# --- scband reference (transcript-rebuilt; emitter-appended) ---
"""Pipeline reference for scband-ab-embeddings-17609365914361 (READ-ONLY COPY).

The authoritative reference and input builder live on the scoring server;
editing this copy changes nothing except your own understanding.
"""

import jax, jax.numpy as jnp
import numpy as np

VOCAB = 25
MAX_POS = 256
HIDDEN = 128
PAD = 0
EPS = 1e-12


def setup_inputs(seed: int = 0) -> dict:
    key = jax.random.key(seed)
    k1, k2, k3 = jax.random.split(key, 3)
    src = jax.random.randint(k1, (4096, 200), 0, VOCAB, dtype=jnp.int64) if jax.config.jax_enable_x64 else jax.random.randint(k1, (4096, 200), 0, VOCAB, dtype=jnp.int32)
    aa_table = jax.random.normal(k2, (VOCAB, HIDDEN), dtype=jnp.float32) * 0.02
    aa_table = aa_table.at[PAD].set(0.0)  # padding_idx row is zero-initialized
    pos_table = jax.random.normal(k3, (MAX_POS, HIDDEN), dtype=jnp.float32) * 0.02
    pos_table = pos_table.at[0].set(0.0)  # padding_idx=0 for position embeddings
    gamma = jnp.ones((HIDDEN,), dtype=jnp.float32)
    beta = jnp.zeros((HIDDEN,), dtype=jnp.float32)
    return {"src": src, "aa_table": aa_table, "pos_table": pos_table, "gamma": gamma, "beta": beta}


def reference(src, aa_table, pos_table, gamma, beta):
    # AAEmbeddings lookup (gather)
    inputs_embeds = jnp.take(aa_table, src, axis=0)
    # create_position_ids_from_input_ids: cumsum of non-pad mask, pad positions -> 0
    mask = (src != PAD).astype(jnp.int32)
    position_ids = jnp.cumsum(mask, axis=1) * mask
    position_embeddings = jnp.take(pos_table, position_ids, axis=0)
    embeddings = inputs_embeds + position_embeddings
    # LayerNorm (eps=1e-12); Dropout is identity in eval mode
    mean = jnp.mean(embeddings, axis=-1, keepdims=True)
    var = jnp.mean(jnp.square(embeddings - mean), axis=-1, keepdims=True)
    normed = (embeddings - mean) / jnp.sqrt(var + EPS)
    return normed * gamma + beta

if __name__ == "__main__":
    import jax
    _d = setup_inputs()
    print(jax.jit(kernel)(*tuple(_d.values())))

</pallas_src>

<mosaic_0001>
#map = affine_map<(d0, d1) -> (0, 0, 0)>
#map1 = affine_map<(d0, d1) -> (0, 0)>
module attributes {stable_mosaic.version = 14 : i64} {
  func.func @k(%arg0: i32, %arg1: i32, %arg2: memref<32x200x128xi32, #tpu.memory_space<hbm>>, %arg3: memref<6400x128xf32, #tpu.memory_space<hbm>>, %arg4: memref<819200x128xf32, #tpu.memory_space<hbm>>, %arg5: memref<200x128xi32, #tpu.memory_space<vmem>>, %arg6: memref<128x128xf32, #tpu.memory_space<vmem>>, %arg7: memref<128x128xf32, #tpu.memory_space<vmem>>, %arg8: memref<6400x128xf32, #tpu.memory_space<vmem_shared>>, %arg9: memref<!tpu.dma_semaphore, #tpu.memory_space<semaphore_mem>>, %arg10: memref<!tpu.dma_semaphore, #tpu.memory_space<semaphore_mem>>, %arg11: memref<!tpu.dma_semaphore, #tpu.memory_space<semaphore_mem>>, %arg12: memref<!tpu.dma_semaphore, #tpu.memory_space<semaphore_mem>>) attributes {dimension_semantics = [#tpu.dimension_semantics<core_parallel>, #tpu.dimension_semantics<subcore_parallel>], iteration_bounds = array<i64: 2, 16>, scalar_prefetch = 0 : i64, scratch_operands = 8 : i64, tpu.core_type = #tpu.core_type<sc_vector_subcore>, window_params = [{transform_indices = #map}, {transform_indices = #map1}, {transform_indices = #map1}]} {
    %mul3A = arith.constant 2 : i32
    %mul3A_0 = arith.muli %arg1, %mul3A : i32
    %add3A = arith.addi %mul3A_0, %arg0 : i32
    %mul3A_1 = arith.constant 25600 : i32
    %mul3A_2 = arith.muli %add3A, %mul3A_1 : i32
    %eq3A = arith.constant 0 : i32
    %eq3A_3 = arith.cmpi eq, %arg1, %eq3A : i32
    %convert_element_type3A = arith.extui %eq3A_3 : i1 to i32
    %cond3A = arith.constant 0 : i32
    %cond3A_4 = arith.cmpi ne, %convert_element_type3A, %cond3A : i32
    scf.if %cond3A_4 {
      tpu.enqueue_dma source(%arg3 : memref<6400x128xf32, #tpu.memory_space<hbm>>) target(%arg8 : memref<6400x128xf32, #tpu.memory_space<vmem_shared>>) target_semaphore(%arg9 : memref<!tpu.dma_semaphore, #tpu.memory_space<semaphore_mem>>)
    } else {
    }
    "tpu.region"() ({
      %run_scoped3A = tpu.sem_alloc : memref<!tpu.dma_semaphore, #tpu.memory_space<semaphore_mem>>
      %dma_start3A_24 = arith.constant 0 : i32
      %dma_start3A_25 = arith.constant 0 : i32
      %dma_start3A_26 = tpu.memref_slice %arg2[%add3A, %dma_start3A_24, %dma_start3A_25] : memref<32x200x128xi32, #tpu.memory_space<hbm>> -> memref<1x200x128xi32, #tpu.memory_space<hbm>>
      %dma_start3A_27 = tpu.memref_squeeze %dma_start3A_26 : memref<1x200x128xi32, #tpu.memory_space<hbm>> -> memref<200x128xi32, #tpu.memory_space<hbm>>
      %dma_start3A_28 = arith.constant 0 : i32
      %dma_start3A_29 = arith.constant 0 : i32
      %dma_start3A_30 = tpu.memref_slice %arg2[%add3A, %dma_start3A_28, %dma_start3A_29] : memref<32x200x128xi32, #tpu.memory_space<hbm>> -> memref<1x200x128xi32, #tpu.memory_space<hbm>>
      %dma_start3A_31 = tpu.memref_squeeze %dma_start3A_30 : memref<1x200x128xi32, #tpu.memory_space<hbm>> -> memref<200x128xi32, #tpu.memory_space<hbm>>
      tpu.enqueue_dma source(%dma_start3A_31 : memref<200x128xi32, #tpu.memory_space<hbm>>) target(%arg5 : memref<200x128xi32, #tpu.memory_space<vmem>>) target_semaphore(%run_scoped3A : memref<!tpu.dma_semaphore, #tpu.memory_space<semaphore_mem>>)
      %dma_wait3A_32 = arith.constant 0 : i32
      %dma_wait3A_33 = arith.constant 0 : i32
      %dma_wait3A_34 = tpu.memref_slice %arg2[%add3A, %dma_wait3A_32, %dma_wait3A_33] : memref<32x200x128xi32, #tpu.memory_space<hbm>> -> memref<1x200x128xi32, #tpu.memory_space<hbm>>
      %dma_wait3A_35 = tpu.memref_squeeze %dma_wait3A_34 : memref<1x200x128xi32, #tpu.memory_space<hbm>> -> memref<200x128xi32, #tpu.memory_space<hbm>>
      %dma_wait3A_36 = arith.constant 0 : i32
      %dma_wait3A_37 = arith.constant 0 : i32
      %dma_wait3A_38 = tpu.memref_slice %arg2[%add3A, %dma_wait3A_36, %dma_wait3A_37] : memref<32x200x128xi32, #tpu.memory_space<hbm>> -> memref<1x200x128xi32, #tpu.memory_space<hbm>>
      %dma_wait3A_39 = tpu.memref_squeeze %dma_wait3A_38 : memref<1x200x128xi32, #tpu.memory_space<hbm>> -> memref<200x128xi32, #tpu.memory_space<hbm>>
      tpu.wait_dma2 semaphore(%run_scoped3A : memref<!tpu.dma_semaphore, #tpu.memory_space<semaphore_mem>>) src(%dma_wait3A_39 : memref<200x128xi32, #tpu.memory_space<hbm>>) dst(%arg5 : memref<200x128xi32, #tpu.memory_space<vmem>>)
      tpu.yield
    }) : () -> ()
    %eq3A_5 = arith.constant 0 : i32
    %eq3A_6 = arith.cmpi eq, %arg1, %eq3A_5 : i32
    %convert_element_type3A_7 = arith.extui %eq3A_6 : i1 to i32
    %cond3A_8 = arith.constant 0 : i32
    %cond3A_9 = arith.cmpi ne, %convert_element_type3A_7, %cond3A_8 : i32
    scf.if %cond3A_9 {
      tpu.wait_dma2 semaphore(%arg9 : memref<!tpu.dma_semaphore, #tpu.memory_space<semaphore_mem>>) src(%arg3 : memref<6400x128xf32, #tpu.memory_space<hbm>>) dst(%arg8 : memref<6400x128xf32, #tpu.memory_space<vmem_shared>>)
    } else {
    }
    %barrier3A = arith.constant 0 : index
    tpu.barrier barrier_id(%barrier3A)
    %dma_start3A = arith.constant 0 : i32
    %dma_start3A_10 = arith.constant 0 : i32
    %dma_start3A_11 = tpu.memref_slice %arg5[%dma_start3A, %dma_start3A_10] : memref<200x128xi32, #tpu.memory_space<vmem>> -> memref<1x128xi32, #tpu.memory_space<vmem>>
    %dma_start3A_12 = tpu.memref_squeeze %dma_start3A_11 : memref<1x128xi32, #tpu.memory_space<vmem>> -> memref<128xi32, #tpu.memory_space<vmem>>
    %dma_start3A_13 = arith.constant 0 : i32
    %dma_start3A_14 = arith.constant 0 : i32
    %dma_start3A_15 = tpu.memref_slice %arg8[%dma_start3A_13, %dma_start3A_14] : memref<6400x128xf32, #tpu.memory_space<vmem_shared>> -> memref<6400x128xf32, #tpu.memory_space<vmem_shared>>
    tpu.enqueue_indirect_dma source(%dma_start3A_15 : memref<6400x128xf32, #tpu.memory_space<vmem_shared>>) target(%arg6 : memref<128x128xf32, #tpu.memory_space<vmem>>) offsets(%dma_start3A_12 : memref<128xi32, #tpu.memory_space<vmem>>) semaphore(%arg9 : memref<!tpu.dma_semaphore, #tpu.memory_space<semaphore_mem>>)
    %scan3A = arith.constant 0 : i32
    %scan3A_16 = arith.constant 0 : i32
    %scan3A_17 = arith.constant 100 : i32
    %scan3A_18 = arith.addi %scan3A_16, %scan3A_17 : i32
    %scan3A_19 = arith.constant 1 : i32
    scf.for %scan3A_24 = %scan3A_16 to %scan3A_18 step %scan3A_19  : i32 {
      %mul3A_25 = arith.constant 2 : i32
      %mul3A_26 = arith.muli %mul3A_25, %scan3A_24 : i32
      %ge3A = arith.constant 1 : i32
      %ge3A_27 = arith.cmpi sge, %mul3A_26, %ge3A : i32
      %convert_element_type3A_28 = arith.extui %ge3A_27 : i1 to i32
      %cond3A_29 = arith.constant 0 : i32
      %cond3A_30 = arith.cmpi ne, %convert_element_type3A_28, %cond3A_29 : i32
      scf.if %cond3A_30 {
        %dma_wait3A_81 = arith.constant 0 : i32
        %dma_wait3A_82 = tpu.memref_slice %arg4[%mul3A_2, %dma_wait3A_81] : memref<819200x128xf32, #tpu.memory_space<hbm>> -> memref<128x128xf32, #tpu.memory_space<hbm>>
        %dma_wait3A_83 = arith.constant 0 : i32
        %dma_wait3A_84 = tpu.memref_slice %arg4[%mul3A_2, %dma_wait3A_83] : memref<819200x128xf32, #tpu.memory_space<hbm>> -> memref<128x128xf32, #tpu.memory_space<hbm>>
        tpu.wait_dma2 semaphore(%arg12 : memref<!tpu.dma_semaphore, #tpu.memory_space<semaphore_mem>>) src(%arg7 : memref<128x128xf32, #tpu.memory_space<vmem>>) dst(%dma_wait3A_84 : memref<128x128xf32, #tpu.memory_space<hbm>>)
      } else {
      }
      %add3A_31 = arith.constant 1 : i32
      %add3A_32 = arith.addi %mul3A_26, %add3A_31 : i32
      %lt3A = arith.constant 200 : i32
      %lt3A_33 = arith.cmpi slt, %add3A_32, %lt3A : i32
      %convert_element_type3A_34 = arith.extui %lt3A_33 : i1 to i32
      %cond3A_35 = arith.constant 0 : i32
      %cond3A_36 = arith.cmpi ne, %convert_element_type3A_34, %cond3A_35 : i32
      scf.if %cond3A_36 {
        %add3A_81 = arith.constant 1 : i32
        %add3A_82 = arith.addi %mul3A_26, %add3A_81 : i32
        %dma_start3A_83 = arith.constant 0 : i32
        %dma_start3A_84 = tpu.memref_slice %arg5[%add3A_82, %dma_start3A_83] : memref<200x128xi32, #tpu.memory_space<vmem>> -> memref<1x128xi32, #tpu.memory_space<vmem>>
        %dma_start3A_85 = tpu.memref_squeeze %dma_start3A_84 : memref<1x128xi32, #tpu.memory_space<vmem>> -> memref<128xi32, #tpu.memory_space<vmem>>
        %dma_start3A_86 = arith.constant 0 : i32
        %dma_start3A_87 = arith.constant 0 : i32
        %dma_start3A_88 = tpu.memref_slice %arg8[%dma_start3A_86, %dma_start3A_87] : memref<6400x128xf32, #tpu.memory_space<vmem_shared>> -> memref<6400x128xf32, #tpu.memory_space<vmem_shared>>
        tpu.enqueue_indirect_dma source(%dma_start3A_88 : memref<6400x128xf32, #tpu.memory_space<vmem_shared>>) target(%arg7 : memref<128x128xf32, #tpu.memory_space<vmem>>) offsets(%dma_start3A_85 : memref<128xi32, #tpu.memory_space<vmem>>) semaphore(%arg10 : memref<!tpu.dma_semaphore, #tpu.memory_space<semaphore_mem>>)
      } else {
      }
      %dma_wait3A_37 = arith.constant 0 : i32
      %dma_wait3A_38 = arith.constant 0 : i32
      %dma_wait3A_39 = tpu.memref_slice %arg5[%dma_wait3A_37, %dma_wait3A_38] : memref<200x128xi32, #tpu.memory_space<vmem>> -> memref<1x128xi32, #tpu.memory_space<vmem>>
      %dma_wait3A_40 = tpu.memref_squeeze %dma_wait3A_39 : memref<1x128xi32, #tpu.memory_space<vmem>> -> memref<128xi32, #tpu.memory_space<vmem>>
      %dma_wait3A_41 = arith.constant 0 : i32
      %dma_wait3A_42 = arith.constant 0 : i32
      %dma_wait3A_43 = tpu.memref_slice %arg8[%dma_wait3A_41, %dma_wait3A_42] : memref<6400x128xf32, #tpu.memory_space<vmem_shared>> -> memref<6400x128xf32, #tpu.memory_space<vmem_shared>>
      tpu.wait_indirect_dma semaphore(%arg9 : memref<!tpu.dma_semaphore, #tpu.memory_space<semaphore_mem>>) src(%dma_wait3A_43 : memref<6400x128xf32, #tpu.memory_space<vmem_shared>>) dst(%arg6 : memref<128x128xf32, #tpu.memory_space<vmem>>)
      %mul3A_44 = arith.constant 128 : i32
      %mul3A_45 = arith.muli %mul3A_26, %mul3A_44 : i32
      %add3A_46 = arith.addi %mul3A_2, %mul3A_45 : i32
      %dma_start3A_47 = arith.constant 0 : i32
      %dma_start3A_48 = tpu.memref_slice %arg4[%add3A_46, %dma_start3A_47] : memref<819200x128xf32, #tpu.memory_space<hbm>> -> memref<128x128xf32, #tpu.memory_space<hbm>>
      %dma_start3A_49 = arith.constant 0 : i32
      %dma_start3A_50 = tpu.memref_slice %arg4[%add3A_46, %dma_start3A_49] : memref<819200x128xf32, #tpu.memory_space<hbm>> -> memref<128x128xf32, #tpu.memory_space<hbm>>
      tpu.enqueue_dma source(%arg6 : memref<128x128xf32, #tpu.memory_space<vmem>>) target(%dma_start3A_50 : memref<128x128xf32, #tpu.memory_space<hbm>>) target_semaphore(%arg11 : memref<!tpu.dma_semaphore, #tpu.memory_space<semaphore_mem>>)
      %mul3A_51 = arith.constant 2 : i32
      %mul3A_52 = arith.muli %mul3A_51, %scan3A_24 : i32
      %add3A_53 = arith.constant 1 : i32
      %add3A_54 = arith.addi %mul3A_52, %add3A_53 : i32
      %ge3A_55 = arith.constant 1 : i32
      %ge3A_56 = arith.cmpi sge, %add3A_54, %ge3A_55 : i32
      %convert_element_type3A_57 = arith.extui %ge3A_56 : i1 to i32
      %cond3A_58 = arith.constant 0 : i32
      %cond3A_59 = arith.cmpi ne, %convert_element_type3A_57, %cond3A_58 : i32
      scf.if %cond3A_59 {
        %dma_wait3A_81 = arith.constant 0 : i32
        %dma_wait3A_82 = tpu.memref_slice %arg4[%mul3A_2, %dma_wait3A_81] : memref<819200x128xf32, #tpu.memory_space<hbm>> -> memref<128x128xf32, #tpu.memory_space<hbm>>
        %dma_wait3A_83 = arith.constant 0 : i32
        %dma_wait3A_84 = tpu.memref_slice %arg4[%mul3A_2, %dma_wait3A_83] : memref<819200x128xf32, #tpu.memory_space<hbm>> -> memref<128x128xf32, #tpu.memory_space<hbm>>
        tpu.wait_dma2 semaphore(%arg11 : memref<!tpu.dma_semaphore, #tpu.memory_space<semaphore_mem>>) src(%arg6 : memref<128x128xf32, #tpu.memory_space<vmem>>) dst(%dma_wait3A_84 : memref<128x128xf32, #tpu.memory_space<hbm>>)
      } else {
      }
      %add3A_60 = arith.constant 1 : i32
      %add3A_61 = arith.addi %add3A_54, %add3A_60 : i32
      %lt3A_62 = arith.constant 200 : i32
      %lt3A_63 = arith.cmpi slt, %add3A_61, %lt3A_62 : i32
      %convert_element_type3A_64 = arith.extui %lt3A_63 : i1 to i32
      %cond3A_65 = arith.constant 0 : i32
      %cond3A_66 = arith.cmpi ne, %convert_element_type3A_64, %cond3A_65 : i32
      scf.if %cond3A_66 {
        %add3A_81 = arith.constant 1 : i32
        %add3A_82 = arith.addi %add3A_54, %add3A_81 : i32
        %dma_start3A_83 = arith.constant 0 : i32
        %dma_start3A_84 = tpu.memref_slice %arg5[%add3A_82, %dma_start3A_83] : memref<200x128xi32, #tpu.memory_space<vmem>> -> memref<1x128xi32, #tpu.memory_space<vmem>>
        %dma_start3A_85 = tpu.memref_squeeze %dma_start3A_84 : memref<1x128xi32, #tpu.memory_space<vmem>> -> memref<128xi32, #tpu.memory_space<vmem>>
        %dma_start3A_86 = arith.constant 0 : i32
        %dma_start3A_87 = arith.constant 0 : i32
        %dma_start3A_88 = tpu.memref_slice %arg8[%dma_start3A_86, %dma_start3A_87] : memref<6400x128xf32, #tpu.memory_space<vmem_shared>> -> memref<6400x128xf32, #tpu.memory_space<vmem_shared>>
        tpu.enqueue_indirect_dma source(%dma_start3A_88 : memref<6400x128xf32, #tpu.memory_space<vmem_shared>>) target(%arg6 : memref<128x128xf32, #tpu.memory_space<vmem>>) offsets(%dma_start3A_85 : memref<128xi32, #tpu.memory_space<vmem>>) semaphore(%arg9 : memref<!tpu.dma_semaphore, #tpu.memory_space<semaphore_mem>>)
      } else {
      }
      %dma_wait3A_67 = arith.constant 0 : i32
      %dma_wait3A_68 = arith.constant 0 : i32
      %dma_wait3A_69 = tpu.memref_slice %arg5[%dma_wait3A_67, %dma_wait3A_68] : memref<200x128xi32, #tpu.memory_space<vmem>> -> memref<1x128xi32, #tpu.memory_space<vmem>>
      %dma_wait3A_70 = tpu.memref_squeeze %dma_wait3A_69 : memref<1x128xi32, #tpu.memory_space<vmem>> -> memref<128xi32, #tpu.memory_space<vmem>>
      %dma_wait3A_71 = arith.constant 0 : i32
      %dma_wait3A_72 = arith.constant 0 : i32
      %dma_wait3A_73 = tpu.memref_slice %arg8[%dma_wait3A_71, %dma_wait3A_72] : memref<6400x128xf32, #tpu.memory_space<vmem_shared>> -> memref<6400x128xf32, #tpu.memory_space<vmem_shared>>
      tpu.wait_indirect_dma semaphore(%arg10 : memref<!tpu.dma_semaphore, #tpu.memory_space<semaphore_mem>>) src(%dma_wait3A_73 : memref<6400x128xf32, #tpu.memory_space<vmem_shared>>) dst(%arg7 : memref<128x128xf32, #tpu.memory_space<vmem>>)
      %mul3A_74 = arith.constant 128 : i32
      %mul3A_75 = arith.muli %add3A_54, %mul3A_74 : i32
      %add3A_76 = arith.addi %mul3A_2, %mul3A_75 : i32
      %dma_start3A_77 = arith.constant 0 : i32
      %dma_start3A_78 = tpu.memref_slice %arg4[%add3A_76, %dma_start3A_77] : memref<819200x128xf32, #tpu.memory_space<hbm>> -> memref<128x128xf32, #tpu.memory_space<hbm>>
      %dma_start3A_79 = arith.constant 0 : i32
      %dma_start3A_80 = tpu.memref_slice %arg4[%add3A_76, %dma_start3A_79] : memref<819200x128xf32, #tpu.memory_space<hbm>> -> memref<128x128xf32, #tpu.memory_space<hbm>>
      tpu.enqueue_dma source(%arg7 : memref<128x128xf32, #tpu.memory_space<vmem>>) target(%dma_start3A_80 : memref<128x128xf32, #tpu.memory_space<hbm>>) target_semaphore(%arg12 : memref<!tpu.dma_semaphore, #tpu.memory_space<semaphore_mem>>)
    }
    %scan3A_20 = arith.constant 100 : i32
    %dma_wait3A = arith.constant 0 : i32
    %dma_wait3A_21 = tpu.memref_slice %arg4[%mul3A_2, %dma_wait3A] : memref<819200x128xf32, #tpu.memory_space<hbm>> -> memref<128x128xf32, #tpu.memory_space<hbm>>
    %dma_wait3A_22 = arith.constant 0 : i32
    %dma_wait3A_23 = tpu.memref_slice %arg4[%mul3A_2, %dma_wait3A_22] : memref<819200x128xf32, #tpu.memory_space<hbm>> -> memref<128x128xf32, #tpu.memory_space<hbm>>
    tpu.wait_dma2 semaphore(%arg12 : memref<!tpu.dma_semaphore, #tpu.memory_space<semaphore_mem>>) src(%arg7 : memref<128x128xf32, #tpu.memory_space<vmem>>) dst(%dma_wait3A_23 : memref<128x128xf32, #tpu.memory_space<hbm>>)
    return
  }
}

module attributes {stable_mosaic.version = 14 : i64} {
  func.func @_prep_body(%arg0: memref<4096x200xi32, #tpu.memory_space<vmem>>, %arg1: memref<25x128xf32, #tpu.memory_space<vmem>>, %arg2: memref<256x128xf32, #tpu.memory_space<vmem>>, %arg3: memref<128xf32, #tpu.memory_space<vmem>>, %arg4: memref<128xf32, #tpu.memory_space<vmem>>, %arg5: memref<25x256x128xf32, #tpu.memory_space<vmem>>, %arg6: memref<4096x200xi32, #tpu.memory_space<vmem>>) attributes {dimension_semantics = [], scalar_prefetch = 0 : i64, scratch_operands = 0 : i64, tpu.core_type = #tpu.core_type<tc>} {
    %get3A = arith.constant 0 : index
    %get3A_0 = arith.constant 0 : index
    %get3A_1 = vector.load %arg1[%get3A, %get3A_0] : memref<25x128xf32, #tpu.memory_space<vmem>>, vector<25x128xf32>
    %get3A_2 = arith.constant 0 : index
    %get3A_3 = arith.constant 0 : index
    %get3A_4 = vector.load %arg2[%get3A_2, %get3A_3] : memref<256x128xf32, #tpu.memory_space<vmem>>, vector<256x128xf32>
    %broadcast_in_dim3A = vector.shape_cast %get3A_1 : vector<25x128xf32> to vector<25x1x128xf32>
    %broadcast_in_dim3A_5 = vector.shape_cast %get3A_4 : vector<256x128xf32> to vector<1x256x128xf32>
    %add3A = vector.broadcast %broadcast_in_dim3A : vector<25x1x128xf32> to vector<25x256x128xf32>
    %add3A_6 = vector.broadcast %broadcast_in_dim3A_5 : vector<1x256x128xf32> to vector<25x256x128xf32>
    %add3A_7 = arith.addf %add3A, %add3A_6 : vector<25x256x128xf32>
    %reduce_sum3A = arith.constant dense<0.000000e+00> : vector<25x256xf32>
    %reduce_sum3A_8 = vector.multi_reduction <add>, %add3A_7, %reduce_sum3A [2] : vector<25x256x128xf32> to vector<25x256xf32>
    %broadcast_in_dim3A_9 = vector.shape_cast %reduce_sum3A_8 : vector<25x256xf32> to vector<25x256x1xf32>
    %div3A = arith.constant 1.280000e+02 : f32
    %div3A_10 = vector.broadcast %div3A : f32 to vector<25x256x1xf32>
    %div3A_11 = arith.divf %broadcast_in_dim3A_9, %div3A_10 : vector<25x256x1xf32>
    %sub3A = vector.broadcast %div3A_11 : vector<25x256x1xf32> to vector<25x256x128xf32>
    %sub3A_12 = arith.subf %add3A_7, %sub3A : vector<25x256x128xf32>
    %mul3A = arith.mulf %sub3A_12, %sub3A_12 : vector<25x256x128xf32>
    %reduce_sum3A_13 = arith.constant dense<0.000000e+00> : vector<25x256xf32>
    %reduce_sum3A_14 = vector.multi_reduction <add>, %mul3A, %reduce_sum3A_13 [2] : vector<25x256x128xf32> to vector<25x256xf32>
    %broadcast_in_dim3A_15 = vector.shape_cast %reduce_sum3A_14 : vector<25x256xf32> to vector<25x256x1xf32>
    %div3A_16 = arith.constant 1.280000e+02 : f32
    %div3A_17 = vector.broadcast %div3A_16 : f32 to vector<25x256x1xf32>
    %div3A_18 = arith.divf %broadcast_in_dim3A_15, %div3A_17 : vector<25x256x1xf32>
    %add3A_19 = arith.constant 9.99999996E-13 : f32
    %add3A_20 = vector.broadcast %add3A_19 : f32 to vector<25x256x1xf32>
    %add3A_21 = arith.addf %div3A_18, %add3A_20 : vector<25x256x1xf32>
    %rsqrt3A = math.rsqrt %add3A_21 : vector<25x256x1xf32>
    %mul3A_22 = vector.broadcast %rsqrt3A : vector<25x256x1xf32> to vector<25x256x128xf32>
    %mul3A_23 = arith.mulf %sub3A_12, %mul3A_22 : vector<25x256x128xf32>
    %get3A_24 = arith.constant 0 : index
    %get3A_25 = vector.load %arg3[%get3A_24] : memref<128xf32, #tpu.memory_space<vmem>>, vector<128xf32>
    %broadcast_in_dim3A_26 = vector.shape_cast %get3A_25 : vector<128xf32> to vector<1x1x128xf32>
    %mul3A_27 = vector.broadcast %broadcast_in_dim3A_26 : vector<1x1x128xf32> to vector<25x256x128xf32>
    %mul3A_28 = arith.mulf %mul3A_23, %mul3A_27 : vector<25x256x128xf32>
    %get3A_29 = arith.constant 0 : index
    %get3A_30 = vector.load %arg4[%get3A_29] : memref<128xf32, #tpu.memory_space<vmem>>, vector<128xf32>
    %broadcast_in_dim3A_31 = vector.shape_cast %get3A_30 : vector<128xf32> to vector<1x1x128xf32>
    %add3A_32 = vector.broadcast %broadcast_in_dim3A_31 : vector<1x1x128xf32> to vector<25x256x128xf32>
    %add3A_33 = arith.addf %mul3A_28, %add3A_32 : vector<25x256x128xf32>
    %swap3A = arith.constant 0 : index
    %swap3A_34 = arith.constant 0 : index
    %swap3A_35 = arith.constant 0 : index
    %swap3A_36 = vector.load %arg5[%swap3A, %swap3A_34, %swap3A_35] : memref<25x256x128xf32, #tpu.memory_space<vmem>>, vector<25x256x128xf32>
    tpu.vector_store %arg5[%swap3A, %swap3A_34, %swap3A_35], %add3A_33 {strides = array<i32>} : memref<25x256x128xf32, #tpu.memory_space<vmem>>, vector<25x256x128xf32>,
    %get3A_37 = arith.constant 0 : index
    %get3A_38 = arith.constant 0 : index
    %get3A_39 = vector.load %arg0[%get3A_37, %get3A_38] : memref<4096x200xi32, #tpu.memory_space<vmem>>, vector<4096x200xi32>
    %ne3A = arith.constant 0 : i32
    %ne3A_40 = vector.broadcast %ne3A : i32 to vector<4096x200xi32>
    %ne3A_41 = arith.cmpi ne, %get3A_39, %ne3A_40 : vector<4096x200xi32>
    %convert_element_type3A = arith.extui %ne3A_41 : vector<4096x200xi1> to vector<4096x200xi32>
    %convert_element_type3A_42 = arith.sitofp %convert_element_type3A : vector<4096x200xi32> to vector<4096x200xbf16>
    %iota3A = tpu.iota {dimensions = array<i32: 0>} : vector<200x200xi32>
    %iota3A_43 = tpu.iota {dimensions = array<i32: 1>} : vector<200x200xi32>
    %le3A = arith.cmpi sle, %iota3A, %iota3A_43 : vector<200x200xi32>
    %convert_element_type3A_44 = arith.extui %le3A : vector<200x200xi1> to vector<200x200xi32>
    %convert_element_type3A_45 = arith.sitofp %convert_element_type3A_44 : vector<200x200xi32> to vector<200x200xf32>
    %convert_element_type3A_46 = arith.truncf %convert_element_type3A_45 : vector<200x200xf32> to vector<200x200xbf16>
    %dot_general3A = arith.constant dense<0.000000e+00> : vector<4096x200xf32>
    %dot_general3A_47 = tpu.matmul %convert_element_type3A_42, %convert_element_type3A_46, %dot_general3A {dimension_numbers = #tpu.dot_dimension_numbers<[1], [0], [0], [1], [0, 0, 1, 1], [], []>, transpose_lhs_hint = false} : vector<4096x200xbf16>, vector<200x200xbf16>, vector<4096x200xf32> -> vector<4096x200xf32>
    %convert_element_type3A_48 = arith.fptosi %dot_general3A_47 : vector<4096x200xf32> to vector<4096x200xi32>
    %mul3A_49 = arith.muli %convert_element_type3A_48, %convert_element_type3A : vector<4096x200xi32>
    %mul3A_50 = arith.constant 256 : i32
    %mul3A_51 = vector.broadcast %mul3A_50 : i32 to vector<4096x200xi32>
    %mul3A_52 = arith.muli %get3A_39, %mul3A_51 : vector<4096x200xi32>
    %add3A_53 = arith.addi %mul3A_52, %mul3A_49 : vector<4096x200xi32>
    %swap3A_54 = arith.constant 0 : index
    %swap3A_55 = arith.constant 0 : index
    %swap3A_56 = vector.load %arg6[%swap3A_54, %swap3A_55] : memref<4096x200xi32, #tpu.memory_space<vmem>>, vector<4096x200xi32>
    tpu.vector_store %arg6[%swap3A_54, %swap3A_55], %add3A_53 {strides = array<i32>} : memref<4096x200xi32, #tpu.memory_space<vmem>>, vector<4096x200xi32>,
    return
  }
}

</mosaic_0001>

<sc_bundles>
// kernel: kernel.4.cloned.1.call-start
scs
__scs_entry_jumppad:
0x0: {  	(pc) =	sbr.rel $0x88, $3  }
0x1: {  	(tag) =	ssettag $0x0;
	lr =	simm.s32 $0x1  }
0x2: {  	[smem:$0x3F9C] =	sst lr;
	_ =	strace $0xD0000000  }
0x3: {  	_ = 	snop  }
0x4: {  	_ = 	snop  }
0x5: {  	_ = 	snop  }
0x6: {  	_ = 	snop  }
0x7: {  	_ = 	snop  }
__scs_overlays_trampoline_lowered:
0x8: {  	[smem:$0x3FAB] =	sst s0  }
0x9: {  	[smem:$0x3FAC] =	sst s1  }
0xa: {  	[smem:$0x3FAD] =	sst s2  }
0xb: {  	[smem:$0x3FAE] =	sst s3  }
0xc: {  	[smem:$0x3FAF] =	sst s4  }
0xd: {  	[smem:$0x3FB0] =	sst s5  }
0xe: {  	[smem:$0x3FB1] =	sst s6  }
0xf: {  	[smem:$0x3FB2] =	sst s7  }
0x10: {  	[smem:$0x3FB3] =	sst s8  }
0x11: {  	[smem:$0x3FB4] =	sst s9;
	s0 =	simm.s32 @!p0 $0x0  }
0x12: {  	s1 =	sld [smem:$0x3F9A];
	s0 =	simm.s32 @p0 $0x1  }
0x13: {  	[smem:$0x3FB5] =	sst s0;
	s0 =	simm.s32 @!p1 $0x0  }
0x14: {  	s2 =	sld [smem:$0x3F99];
	s0 =	simm.s32 @p1 $0x1  }
0x15: {  	[smem:$0x3FB6] =	sst s0;
	s0 =	simm.s32 @!p2 $0x0  }
0x16: {  	s3 =	sld [smem:$0x3FDB];
	s0 =	simm.s32 @p2 $0x1  }
0x17: {  	s4 =	simm.s32 $0x1BF5;
	[smem:$0x3FB8] =	sst s0  }
0x18: {  	s0 =	sld [smem:$0x3F9B];
	_ =	swait.ge [sflag:s4], $0x0  }
0x19: {  	s7 =	sld [smem:$0x3F9C]  }
0x1a: {  	s8 =	sadd.s32 $0xFFFFE003, lr  }
0x1b: {  	s9 =	sadd.s32 $0xFFFFFEF7, lr;
	s5 =	simm.s32 $0xFFFFFFFF;
	p2 =	slt.u32 s8, $0xFFFFF086  }
0x1c: {  	p1 =	slt.u32 s9, $0xF7A;
	s5 =	simm.s32 @!p2 $0x0  }
0x1d: {  	s5 =	simm.s32 @p1 $0x1;
	p0 =	seq.s32 s7, s2  }
0x1e: {  	s7 =	smul.u32 @!p0 $0xF7A, s2;
	p2 =	seq.s32 @!p0 s5, $0x0  }
0x1f: {  	s9 =	smul.u32 $0xF7A, s1;
	s8 =	simm.s32 @!p0 $0x1BF5;
	p2 =	por !p2, p0  }
0x20: {  	[sflag:s8] =	ssyncset.s32 @!p0 $0xFFFFF086;
	s6 =	sadd.s32 @!p0 s3, s7;
	s7 =	simm.s32 @!p0 $0x108  }
0x21: {  	s3 =	sadd.s32 s3, s9;
	s6 =	sadd.s32 @!p0 $0x88, s6;
	s7 =	simm.s32 @p2 $0x1082  }
0x22: {  	[simem:s7], [sflag:s8] =	dma.local @!p0 [hbm:s6], $0xF7A  }
0x23: {  	s9 =	sor.u32 $0xD0000000, s2;
	s6 =	simm.s32 $0x108;
	_ =	swait.ge @!p0 [sflag:s8], $0x0  }
0x24: {  	s3 =	sadd.s32 $0x88, s3;
	s6 =	simm.s32 @!p1 $0x1082;
	[sflag:s4] =	ssyncset.s32 $0xFFFFF086  }
0x25: {  	[simem:s6], [sflag:s4] =	dma.local [hbm:s3], $0xF7A  }
0x26: {  	[smem:$0x3F9C] =	sst s1;
	(tag) =	ssettag s2;
	_ =	strace s9  }
0x27: {  	s1 =	sld [smem:$0x3FAC]  }
0x28: {  	s2 =	sld [smem:$0x3FAD]  }
0x29: {  	s4 =	sld [smem:$0x3FAF]  }
0x2a: {  	p0 =	seq.s32 s5, $0x0;
	s5 =	sld [smem:$0x3FB0]  }
0x2b: {  	s6 =	sld [smem:$0x3FB1]  }
0x2c: {  	s7 =	sld [smem:$0x3FB2]  }
0x2d: {  	s3 =	simm.s32 $0x108;
	s8 =	sld [smem:$0x3FB3]  }
0x2e: {  	s3 =	simm.s32 @!p0 $0x1082;
	s9 =	sld [smem:$0x3FB4]  }
0x2f: {  	lr =	sadd.s32 s0, s3;
	s0 =	sld [smem:$0x3FAB]  }
0x30: {  	s3 =	sld [smem:$0x3FAE]  }
0x31: {  	[smem:$0x3FB7] =	sst s10  }
0x32: {  	s10 =	sld [smem:$0x3FB5];
	_ =	sdelay $0x3  }
0x33: {  	p0 =	seq.s32 s10, $0x1;
	s10 =	sld [smem:$0x3FB7];
	_ =	sdelay $0x3  }
0x34: {  	[smem:$0x3FB7] =	sst s10  }
0x35: {  	s10 =	sld [smem:$0x3FB6];
	_ =	sdelay $0x3  }
0x36: {  	p1 =	seq.s32 s10, $0x1;
	s10 =	sld [smem:$0x3FB7];
	_ =	sdelay $0x3  }
0x37: {  	[smem:$0x3FB7] =	sst s10  }
0x38: {  	s10 =	sld [smem:$0x3FB8]  }
0x39: {  	_ = 	snop;
	(pc) =	sbr.ind lr, $3  }
0x3a: {  	_ = 	snop  }
0x3b: {  	_ = 	snop  }
0x3c: {  	p2 =	seq.s32 s10, $0x1;
	s10 =	sld [smem:$0x3FB7]  }
0x3d: {  	_ =	shalt  }
0x3e: {  	_ =	shalt  }
0x3f: {  	_ =	shalt  }
0x40: {  	_ =	shalt  }
0x41: {  	_ =	shalt  }
0x42: {  	_ =	shalt  }
0x43: {  	_ =	shalt  }
0x44: {  	_ =	shalt  }
0x45: {  	_ =	shalt  }
0x46: {  	_ =	shalt  }
0x47: {  	_ =	shalt  }
0x48: {  	_ =	shalt  }
0x49: {  	_ =	shalt  }
0x4a: {  	_ =	shalt  }
0x4b: {  	_ =	shalt  }
0x4c: {  	_ =	shalt  }
0x4d: {  	_ =	shalt  }
0x4e: {  	_ =	shalt  }
0x4f: {  	_ =	shalt  }
0x50: {  	_ =	shalt  }
0x51: {  	_ =	shalt  }
0x52: {  	_ =	shalt  }
0x53: {  	_ =	shalt  }
0x54: {  	_ =	shalt  }
0x55: {  	_ =	shalt  }
0x56: {  	_ =	shalt  }
0x57: {  	_ =	shalt  }
0x58: {  	_ =	shalt  }
0x59: {  	_ =	shalt  }
0x5a: {  	_ =	shalt  }
0x5b: {  	_ =	shalt  }
0x5c: {  	_ =	shalt  }
0x5d: {  	_ =	shalt  }
0x5e: {  	_ =	shalt  }
0x5f: {  	_ =	shalt  }
0x60: {  	_ =	shalt  }
0x61: {  	_ =	shalt  }
0x62: {  	_ =	shalt  }
0x63: {  	_ =	shalt  }
0x64: {  	_ =	shalt  }
0x65: {  	_ =	shalt  }
0x66: {  	_ =	shalt  }
0x67: {  	_ =	shalt  }
0x68: {  	_ =	shalt  }
0x69: {  	_ =	shalt  }
0x6a: {  	_ =	shalt  }
0x6b: {  	_ =	shalt  }
0x6c: {  	_ =	shalt  }
0x6d: {  	_ =	shalt  }
0x6e: {  	_ =	shalt  }
0x6f: {  	_ =	shalt  }
0x70: {  	_ =	shalt  }
0x71: {  	_ =	shalt  }
0x72: {  	_ =	shalt  }
0x73: {  	_ =	shalt  }
0x74: {  	_ =	shalt  }
0x75: {  	_ =	shalt  }
0x76: {  	_ =	shalt  }
0x77: {  	_ =	shalt  }
0x78: {  	_ =	shalt  }
0x79: {  	_ =	shalt  }
0x7a: {  	_ =	shalt  }
0x7b: {  	_ =	shalt  }
0x7c: {  	_ =	shalt  }
0x7d: {  	_ =	shalt  }
0x7e: {  	_ =	shalt  }
0x7f: {  	_ =	shalt  }
0x80: {  	_ =	shalt  }
0x81: {  	_ =	shalt  }
0x82: {  	_ =	shalt  }
0x83: {  	_ =	shalt  }
0x84: {  	_ =	shalt  }
0x85: {  	_ =	shalt  }
0x86: {  	_ =	shalt  }
0x87: {  	_ =	shalt  }
.Lfunc_end0:
.L_simem_size_0:
called_computation_lowered:
.L_overlay_start_0:
0x88: {  	s2 =	sld [smem:$0x3FD9]  }
0x89: {  	s3 =	sld [smem:$0x3FFE];
	_ =	sdelay $0x1  }
0x8a: {  	s1 =	srdreg.scid  }
0x8b: {  	s0 =	sand.u32 $0x1, s1  }
0x8c: {  	s17 =	sshll.u32 s0, $0xA;
	s2 =	sadd.s32 s3, s2  }
0x8d: {  	s2 =	sadd.s32 s2, s17  }
0x8e: {  	[smem:$0x3FC3] =	sst s2  }
0x8f: {  	_ = 	snop  }
0x90: {  	s2 =	sld [smem:$0x3FD0];
	(tm) =	ssettm $0x1  }
0x91: {  	s18 =	sld [smem:$0x3FFB];
	_ =	sdelay $0x3  }
0x92: {  	_ =	strace s18  }
0x93: {  	s3 =	sld [smem:$0x3FFC];
	_ =	sdelay $0x3  }
0x94: {  	_ =	strace s3  }
0x95: {  	s3 =	sld [smem:$0x3FFD];
	_ =	sdelay $0x3  }
0x96: {  	_ =	strace s3  }
0x97: {  	_ =	strace $0x8FFFFFFF  }
0x98: {  	s19 =	sld [smem:$0x3FDB];
	_ =	sdelay $0x1  }
0x99: {  	s4 =	simm.s32 $_scs_section_size  }
0x9a: {  	s5 =	simm.s32 $_size__tile_overlayer_lowered;
	s6 =	simm.s32 $_tile_overlayer_lowered  }
0x9b: {  	s22 =	simm.s32 $0x1BFF;
	s21 =	sshll.u32 s6, $0x1;
	s3 =	sadd.s32 s4, s19  }
0x9c: {  	s7 =	simm.s32 $0x0;
	s20 =	sshll.u32 s5, $0x1;
	s5 =	sadd.s32 s21, s3  }
0x9d: {  	[timem:s7], [sflag:s22] =	dma.local [hbm:s5], s20  }
0x9e: {  	_ =	swait.ge [sflag:s22], s20  }
0x9f: {  	s4 =	ssub.s32 $0x0, s20;
	[sflag:s22] =	ssyncset.done $0x0  }
0xa0: {  	[sflag:s22] =	ssyncadd.s32 s4;
	_ =	sdelay $0x1  }
0xa1: {  	s23 =	simm.s32 $0x1B8B  }
0xa2: {  	_ =	swait.ge [sflag:s23], $0x1  }
0xa3: {  	[sflag:s23] =	ssyncset.done $0x0  }
0xa4: {  	s25 =	simm.s32 $0x1B8E;
	s24 =	sld [smem:$0x3FFE];
	[sflag:s23] =	ssyncadd.s32 $0xFFFFFFFF  }
0xa5: {  	s26 =	simm.s32 $execute0_lowered;
	[smem:$0x3FD2] =	sst s25  }
0xa6: {  	s5 =	sshll.u32 s26, $0x1;
	_ =	strace $0x80000046;
	[dreg:$0x1] =	wrdreg $0xFFFFFFFF  }
0xa7: {  	s28 =	simm.s32 $_size_execute0_lowered;
	s3 =	sadd.s32 s3, s5;
	[dreg:$0x0] =	wrdreg $0x0  }
0xa8: {  	s5 =	sshll.u32 s28, $0x1;
	[dreg:$0x2] =	wrdreg s3  }
0xa9: {  	[dreg:$0x3] =	wrdreg s5  }
0xaa: {  	[dreg:$0x4] =	wrdreg $0xC0  }
0xab: {  	_ =	task [dreg:s7], $0x5FFFF  }
0xac: {  	[dreg:$0x1] =	wrdreg $0xFFFFFFFF  }
0xad: {  	[dreg:$0x0] =	wrdreg $0x60  }
0xae: {  	[dreg:$0x2] =	wrdreg s24  }
0xaf: {  	[dreg:$0x3] =	wrdreg s2  }
0xb0: {  	[dreg:$0x4] =	wrdreg $0xE4000  }
0xb1: {  	[dreg:$0x5] =	wrdreg $0x9  }
0xb2: {  	_ =	task.clear_ibuf [dreg:s7], $0x6FFFF;
	_ =	strace $0x90000046  }
0xb3: {  	s29 =	simm.s32 $0x9;
	_ =	strace $0x80000048  }
0xb4: {  	_ =	swait.ge [sflag:s29], $0x1  }
0xb5: {  	[sflag:s29] =	ssyncadd.s32 $0xFFFFFFFF  }
0xb6: {  	_ =	strace $0x90000048  }
0xb7: {  	_ =	sfence  }
0xb8: {  	s30 =	sld [smem:$0x0];
	_ =	sdelay $0x2  }
0xb9: {  	s31 =	sshll.u32 s1, $0xD;
	s1 =	sshrl.u32 s1, $0x2  }
0xba: {  	s3 =	sand.u32 $0x4000, s31;
	s1 =	sadd.s32 s1, s30  }
0xbb: {  	s0 =	sor.u32 s3, s0;
	s1 =	sshll.u32 s1, $0x11  }
0xbc: {  	s0 =	sor.u32 s1, s0  }
0xbd: {  	s0 =	sadd.s32 $0x8F2B, s0  }
0xbe: {  	[sflag:s0] =	ssyncadd.remote.s32 $0x1  }
0xbf: {  	_ =	sfence.sel $0xFFFF  }
0xc0: {  	[dreg:$0x0] =	wrdreg $0xFFFFFFFF;
	(pc) =	sbr.abs _section_cstart, $3  }
0xc1: {  	[dreg:$0x1] =	wrdreg $0xFFFFFFFF  }
0xc2: {  	_ =	task.clear_ibuf [dreg:s7], $0x2FFFF;
	_ =	strace $0x9FFFFFFF  }
0xc3: {  	(tm) =	ssettm $0x7FFFFFFF  }
tec
execute0_lowered:
.L_overlay_start_1:
0x0: {  	(tag) =	ssettag $0x1  }
0x1: {  	s3 =	rddreg [dreg:$0x0]  }
0x2: {  	s11 =	rddreg [dreg:$0x1];
	s0 =	srdreg.scid  }
0x3: {  	s12 =	stileid.u32;
	s1 =	rddreg [dreg:$0x2]  }
0x4: {  	s2 =	simm.s32 $0x0;
	s15 =	simm.s32 $0xA400;
	s16 =	simm.s32 $0x1  }
0x5: {  	s17 =	simm.s32 $0x3;
	s18 =	simm.s32 $0x100;
	s19 =	simm.s32 $0x2  }
0x6: {  	s20 =	simm.s32 $0x4;
	s21 =	simm.s32 $0x6380;
	s22 =	simm.s32 $0x0  }
0x7: {  	s4 =	sand.u32 $0x1, s0;
	s5 =	sshll.u32 s12, $0x1;
	s0 =	rddreg [dreg:$0x3]  }
0x8: {  	[smem:$0x7FF] =	sst s2;
	s8 =	smul.u32 $0x640000, s12;
	p0 =	sne.s32 s12, $0x0  }
0x9: {  	s5 =	sor.u32 s4, s5;
	s7 =	ssub.s32 $0x2, s4;
	s10 =	smul.u32 $0x320000, s4  }
0xa: {  	_ =	strace $0x80000047;
	s6 =	smul.u32 $0xC80, s5;
	s9 =	sshrl.u32 s7, $0x1  }
0xb: {  	s12 =	sshrl.u32 @!p0 s1, $0x3;
	s5 =	smul.u32 $0x320000, s5;
	s7 =	ssub.s32 s7, s9  }
0xc: {  	s10 =	sadd.s32 s10, s8;
	s6 =	sadd.s32 s6, s3;
	s3 =	sadd.s32 $0x1000, s3  }
0xd: {  	s30 =	sshrl.u32 s5, $0x3;
	s5 =	smax.u32 s7, $0x1;
	s13 =	sor.u32 $0x8000, s10  }
0xe: {  	s14 =	sor.u32 $0xC000, s10;
	s4 =	sadd.s32 $0x1A000, s6;
	s6 =	sadd.s32 s11, s30  }
0xf: {  	s13 =	sshrl.u32 s13, $0x3;
	s31 =	sshrl.u32 s14, $0x3;
	s14 =	simm.s32 $0x6400  }
0x10: {  	s7 =	sadd.s32 $0x800, s6;
	s8 =	sadd.s32 $0x63000, s6;
	s9 =	sadd.s32 $0x63800, s6  }
0x11: {  	s10 =	sadd.s32 s13, s11;
	s11 =	sadd.s32 s31, s11;
	s13 =	simm.s32 $0x80  }
.LBB2_1:
0x12: {  	s23 =	simm.s32 @p0 $0x0  }
0x13: {  	[tilespmem:s23], [sflag:$0x5] =	stream.linear.gather @p0 [hbm4b:s4+s23], $0x6400, $0x38;
	[tilespmem:$0x1AC00] =	vst v63  }
0x14: {  	s23 =	simm.s32 @p0 $0x5  }
0x15: {  	_ =	swait.ge @p0 [sflag:s23], $0x6400  }
0x16: {  	[sflag:s23] =	ssyncset.done @p0 $0x0  }
0x17: {  	[sflag:s23] =	ssyncadd.s32 @p0 $0xFFFF9C00;
	s23 =	simm.s32 @!p0 $0x1C01  }
0x18: {  	[spmem:s12], [sflag:s23] =	dma.local @!p0 [hbm:s3], $0x19000  }
0x19: {  	s23 =	simm.s32 @!p0 $0x0  }
0x1a: {  	[tilespmem:s23], [sflag:$0x5] =	stream.linear.gather @!p0 [hbm4b:s4+s23], $0x6400, $0x38;
	[tilespmem:$0x1AC00] =	vst v63  }
0x1b: {  	s23 =	simm.s32 @!p0 $0x5  }
0x1c: {  	_ =	swait.ge @!p0 [sflag:s23], $0x6400  }
0x1d: {  	[sflag:s23] =	ssyncset.done @!p0 $0x0  }
0x1e: {  	[sflag:s23] =	ssyncadd.s32 @!p0 $0xFFFF9C00;
	s23 =	simm.s32 @!p0 $0x1  }
0x1f: {  	_ =	swait.ge @!p0 [sflag:s23], $0x19000  }
0x20: {  	[sflag:s23] =	ssyncset.done @!p0 $0x0  }
0x21: {  	[sflag:s23] =	ssyncadd.s32 @!p0 $0xFFFE7000  }
0x22: {  	[bflag:$0x0] =	sbarrier.arrive $0xFFFF  }
0x23: {  	[tilespmem:s14], [sflag:$0x1] =	stream.indirect.gather [spmem:s1], $0x80, s2, s13, $0xb8;
	[tilespmem:$0x1AC00] =	vst v63  }
0x24: {  	_ = 	snop  }
0x25: {  	[tilespmem:s15], [sflag:$0x2] =	stream.indirect.gather [spmem:s1], $0x80, s13, s13, $0xb8;
	[tilespmem:$0x1AC00] =	vst v63  }
0x26: {  	_ =	swait.ge [sflag:s16], $0x4000  }
0x27: {  	[sflag:s16] =	ssyncset.done $0x0  }
0x28: {  	[sflag:s16] =	ssyncadd.s32 $0xFFFFC000  }
0x29: {  	[hbm4b:s6+s2] =	stream.linear.scatter [tilespmem:s14], [sflag:$0x3], $0x4000, $0x38;
	[tilespmem:$0x1AC00] =	vst v63  }
0x2a: {  	_ =	swait.ge [sflag:s17], $0x4000  }
0x2b: {  	[sflag:s17] =	ssyncset.done $0x0  }
0x2c: {  	[sflag:s17] =	ssyncadd.s32 $0xFFFFC000  }
0x2d: {  	[tilespmem:s14], [sflag:$0x1] =	stream.indirect.gather [spmem:s1], $0x80, s18, s13, $0xb8;
	[tilespmem:$0x1AC00] =	vst v63  }
0x2e: {  	_ =	swait.ge [sflag:s19], $0x4000  }
0x2f: {  	[sflag:s19] =	ssyncset.done $0x0  }
0x30: {  	[sflag:s19] =	ssyncadd.s32 $0xFFFFC000  }
0x31: {  	[hbm4b:s7+s2] =	stream.linear.scatter [tilespmem:s15], [sflag:$0x4], $0x4000, $0x38;
	[tilespmem:$0x1AC00] =	vst v63  }
0x32: {  	_ =	swait.ge [sflag:s20], $0x4000  }
0x33: {  	[sflag:s20] =	ssyncset.done $0x0  }
0x34: {  	s29 =	simm.s32 $0x180;
	[sflag:s20] =	ssyncadd.s32 $0xFFFFC000  }
0x35: {  	[tilespmem:s15], [sflag:$0x2] =	stream.indirect.gather [spmem:s1], $0x80, s29, s13, $0xb8;
	[tilespmem:$0x1AC00] =	vst v63  }
0x36: {  	_ =	swait.ge [sflag:s16], $0x4000  }
0x37: {  	[sflag:s16] =	ssyncset.done $0x0  }
0x38: {  	s30 =	sadd.s32 $0x0, s10;
	[sflag:s16] =	ssyncadd.s32 $0xFFFFC000  }
0x39: {  	[hbm4b:s30+s2] =	stream.linear.scatter [tilespmem:s14], [sflag:$0x3], $0x4000, $0x38;
	[tilespmem:$0x1AC00] =	vst v63  }
0x3a: {  	_ =	swait.ge [sflag:s17], $0x4000  }
0x3b: {  	[sflag:s17] =	ssyncset.done $0x0  }
0x3c: {  	s31 =	simm.s32 $0x200;
	[sflag:s17] =	ssyncadd.s32 $0xFFFFC000  }
0x3d: {  	[tilespmem:s14], [sflag:$0x1] =	stream.indirect.gather [spmem:s1], $0x80, s31, s13, $0xb8;
	[tilespmem:$0x1AC00] =	vst v63  }
0x3e: {  	_ =	swait.ge [sflag:s19], $0x4000  }
0x3f: {  	s25 =	sadd.s32 $0x0, s11;
	[sflag:s19] =	ssyncset.done $0x0  }
0x40: {  	s24 =	simm.s32 $0x300;
	s23 =	simm.s32 $0x1000;
	[sflag:s19] =	ssyncadd.s32 $0xFFFFC000  }
.LBB2_2:
0x41: {  	[hbm4b:s25+s2] =	stream.linear.scatter [tilespmem:s15], [sflag:$0x4], $0x4000, $0x38;
	[tilespmem:$0x1AC00] =	vst v63  }
0x42: {  	s25 =	smov.u32 s23  }
0x43: {  	p1 =	sne.s32 s23, $0x61000;
	s23 =	sadd.s32 $0x1000, s23;
	_ =	swait.ge [sflag:s20], $0x4000  }
0x44: {  	[sflag:s20] =	ssyncset.done $0x0  }
0x45: {  	s26 =	sadd.s32 $0xFFFFFF80, s24;
	[sflag:s20] =	ssyncadd.s32 $0xFFFFC000  }
0x46: {  	[tilespmem:s15], [sflag:$0x2] =	stream.indirect.gather [spmem:s1], $0x80, s26, s13, $0xb8;
	[tilespmem:$0x1AC00] =	vst v63  }
0x47: {  	_ =	swait.ge [sflag:s16], $0x4000  }
0x48: {  	[sflag:s16] =	ssyncset.done $0x0  }
0x49: {  	s26 =	sadd.s32 s25, s10;
	[sflag:s16] =	ssyncadd.s32 $0xFFFFC000  }
0x4a: {  	[hbm4b:s26+s2] =	stream.linear.scatter [tilespmem:s14], [sflag:$0x3], $0x4000, $0x38;
	[tilespmem:$0x1AC00] =	vst v63  }
0x4b: {  	_ =	swait.ge [sflag:s17], $0x4000  }
0x4c: {  	[sflag:s17] =	ssyncset.done $0x0  }
.Ltmp0:
0x4d: {  	[sflag:s17] =	ssyncadd.s32 $0xFFFFC000;
	(pc) =	sbr.rel @p1 .LBB2_2-.Ltmp0, $4  }
0x4e: {  	[tilespmem:s14], [sflag:$0x1] =	stream.indirect.gather [spmem:s1], $0x80, s24, s13, $0xb8;
	[tilespmem:$0x1AC00] =	vst v63  }
0x4f: {  	_ =	swait.ge [sflag:s19], $0x4000  }
0x50: {  	[sflag:s19] =	ssyncset.done $0x0  }
0x51: {  	s25 =	sadd.s32 s25, s11;
	s24 =	sadd.s32 $0x100, s24;
	[sflag:s19] =	ssyncadd.s32 $0xFFFFC000  }
0x52: {  	[hbm4b:s25+s2] =	stream.linear.scatter [tilespmem:s15], [sflag:$0x4], $0x4000, $0x38;
	[tilespmem:$0x1AC00] =	vst v63  }
0x53: {  	_ =	swait.ge [sflag:s20], $0x4000  }
0x54: {  	[sflag:s20] =	ssyncset.done $0x0  }
0x55: {  	[sflag:s20] =	ssyncadd.s32 $0xFFFFC000  }
0x56: {  	[tilespmem:s15], [sflag:$0x2] =	stream.indirect.gather [spmem:s1], $0x80, s21, s13, $0xb8;
	[tilespmem:$0x1AC00] =	vst v63  }
0x57: {  	_ =	swait.ge [sflag:s16], $0x4000  }
0x58: {  	[sflag:s16] =	ssyncset.done $0x0  }
0x59: {  	[sflag:s16] =	ssyncadd.s32 $0xFFFFC000  }
0x5a: {  	[hbm4b:s8+s2] =	stream.linear.scatter [tilespmem:s14], [sflag:$0x3], $0x4000, $0x38;
	[tilespmem:$0x1AC00] =	vst v63  }
0x5b: {  	_ =	swait.ge [sflag:s17], $0x4000  }
0x5c: {  	[sflag:s17] =	ssyncset.done $0x0  }
0x5d: {  	[sflag:s17] =	ssyncadd.s32 $0xFFFFC000  }
0x5e: {  	s22 =	sadd.s32 $0x1, s22;
	_ =	swait.ge [sflag:s19], $0x4000  }
0x5f: {  	p1 =	sne.s32 s22, s5;
	[sflag:s19] =	ssyncset.done $0x0  }
.Ltmp1:
0x60: {  	[sflag:s19] =	ssyncadd.s32 $0xFFFFC000;
	(pc) =	sbr.rel @p1 .LBB2_1-.Ltmp1, $4  }
0x61: {  	[hbm4b:s9+s2] =	stream.linear.scatter [tilespmem:s15], [sflag:$0x4], $0x4000, $0x38;
	[tilespmem:$0x1AC00] =	vst v63  }
0x62: {  	_ =	swait.ge [sflag:s20], $0x4000  }
0x63: {  	[sflag:s20] =	ssyncset.done $0x0  }
0x64: {  	[sflag:s20] =	ssyncadd.s32 $0xFFFFC000  }
0x65: {  	_ =	sfence.sel $0x180000  }
0x66: {  	[bflag:$0x0] =	sbarrier.arrive $0xFFFF  }
0x67: {  	_ =	strace $0x90000047  }
0x68: {  	s0 =	sadd.s32 @!p0 $0x100000, s0;
	[bflag:$0x2] =	sbarrier.arrive $0xFFFF  }
0x69: {  	[sflag:s0] =	ssyncadd.tile.s32 @!p0 $0x1;
	_ =	shalt  }
.Lfunc_end2:
_tile_overlayer_lowered:
.L_overlay_start_2:
0x6a: {  	(tag) =	ssettag $0x2  }
0x6b: {  	s0 =	rddreg [dreg:$0x0];
	s2 =	stileid.u32  }
0x6c: {  	s1 =	rddreg [dreg:$0x1];
	p0 =	sne.s32 s2, $0x0  }
0x6d: {  	s3 =	rddreg [dreg:$0x2];
	[bflag:$0x3] =	sbarrier.arrive $0xFFFF;
	s2 =	simm.s32 @!p0 $0x1C05  }
0x6e: {  	[timem:s3], [sflag:s2] =	dma.local @!p0 [hbm:s0], s1  }
0x6f: {  	s0 =	simm.s32 @!p0 $0x5  }
0x70: {  	_ =	swait.ge @!p0 [sflag:s0], s1  }
0x71: {  	s1 =	ssub.s32 @!p0 $0x0, s1;
	[sflag:s0] =	ssyncset.done @!p0 $0x0  }
0x72: {  	[sflag:s0] =	ssyncadd.s32 @!p0 s1  }
0x73: {  	[bflag:$0x3] =	sbarrier.arrive $0xFFFF  }
0x74: {  	_ =	shalt  }

</sc_bundles>
